<compile_context>
chip_gen: v7x
topology: tpu7x:2x2x1
jax: 0.10.2.dev20260603
libtpu: 0.0.44.dev20260713+nightly
codegen_flags: <defaults>
</compile_context>

<pallas_src>
import functools

import jax
import jax.numpy as jnp
from jax import lax
from jax.experimental import pallas as pl
from jax.experimental.pallas import tpu as pltpu
from jax.experimental.pallas import tpu_sc as plsc

ALPHA = 3.0
K = 8
TR = 512
NBUF = 2


def _nodevec_body(x_ref, w1_ref, b1_ref, w2_ref, b2_ref, nv1_ref, nv2_ref):
    x = x_ref[0]
    nv1_ref[0] = jnp.tanh(ALPHA * (jnp.dot(x, w1_ref[...],
                                           preferred_element_type=jnp.float32)
                                   + b1_ref[...]))
    nv2_ref[0] = jnp.tanh(ALPHA * (jnp.dot(x, w2_ref[...],
                                           preferred_element_type=jnp.float32)
                                   + b2_ref[...]))


def _topk_body(nv1_ref, nv2_ref, val_ref, idx_ref, *, n_rows):
    r = pl.program_id(1)
    n1 = nv1_ref[0]
    n2 = nv2_ref[0]
    rows1 = nv1_ref[0, pl.ds(r * n_rows, n_rows), :]
    rows2 = nv2_ref[0, pl.ds(r * n_rows, n_rows), :]

    contract = (((1,), (1,)), ((), ()))
    s1 = jax.lax.dot_general(rows1, n2, contract,
                             preferred_element_type=jnp.float32)
    s2 = jax.lax.dot_general(rows2, n1, contract,
                             preferred_element_type=jnp.float32)
    adj = jnp.maximum(jnp.tanh(ALPHA * (s1 - s2)), 0.0)

    idx = jax.lax.broadcasted_iota(jnp.int32, adj.shape, 1).astype(jnp.float32)
    work = adj
    n_cols = float(adj.shape[1])
    vals = []
    idxs = []
    for k in range(K):
        m = jnp.max(work, axis=1, keepdims=True)
        mi = jnp.min(jnp.where(work == m, idx, n_cols), axis=1, keepdims=True)
        vals.append(m)
        idxs.append(mi)
        if k < K - 1:
            work = jnp.where(idx == mi, -1.0, work)

    val_ref[0] = jnp.concatenate(vals, axis=1)
    idx_ref[0] = jnp.concatenate(idxs, axis=1).astype(jnp.int32)


def _make_sc_scatter(R, N, rpw):
    mesh = plsc.VectorSubcoreMesh(core_axis_name="c", subcore_axis_name="s")

    @functools.partial(
        pl.kernel,
        out_type=jax.ShapeDtypeStruct((R, N), jnp.float32),
        mesh=mesh,
        scratch_types=[
            pltpu.VMEM((rpw * K + 16,), jnp.int32),
            pltpu.VMEM((rpw * K + 16,), jnp.float32),
            pltpu.VMEM((N,), jnp.float32),
            pltpu.VMEM((N,), jnp.float32),
            pltpu.SemaphoreType.DMA,
            pltpu.SemaphoreType.DMA,
        ],
        compiler_params=pltpu.CompilerParams(needs_layout_passes=False),
    )
    def sc_scatter(val_hbm, idx_hbm, out_hbm, idx_sl, val_sl, buf0, buf1,
                   sem0, sem1):
        wid = lax.axis_index("s") * 2 + lax.axis_index("c")
        base = wid * rpw
        bufs = (buf0, buf1)
        sems = (sem0, sem1)

        pltpu.sync_copy(idx_hbm.at[pl.ds(base * K, rpw * K)],
                        idx_sl.at[pl.ds(0, rpw * K)])
        pltpu.sync_copy(val_hbm.at[pl.ds(base * K, rpw * K)],
                        val_sl.at[pl.ds(0, rpw * K)])

        zero16 = jnp.zeros((16,), jnp.float32)
        lane = lax.broadcasted_iota(jnp.int32, (16,), 0)
        mask = lane < K

        def _zero_bufs(i, _):
            buf0[pl.ds(i * 16, 16)] = zero16
            buf1[pl.ds(i * 16, 16)] = zero16
            return _

        lax.fori_loop(0, N // 16, _zero_bufs, None)

        def _emit(row, b):
            iv = idx_sl[pl.ds(row * K, 16)]
            vv = val_sl[pl.ds(row * K, 16)]
            plsc.store_scatter(bufs[b], [iv], vv, mask=mask)
            return pltpu.async_copy(bufs[b], out_hbm.at[base + row], sems[b])

        for b in range(NBUF):
            _emit(b, b)

        def _step(g, _):
            row0 = g * NBUF
            for b in range(NBUF):
                row = row0 + b
                old = row - NBUF
                pltpu.make_async_copy(bufs[b], out_hbm.at[base + old],
                                      sems[b]).wait()
                oiv = idx_sl[pl.ds(old * K, 16)]
                plsc.store_scatter(bufs[b], [oiv], zero16, mask=mask)
                _emit(row, b)
            return _

        lax.fori_loop(1, rpw // NBUF, _step, None)

        for b in range(NBUF):
            row = rpw - NBUF + b
            pltpu.make_async_copy(bufs[b], out_hbm.at[base + row],
                                  sems[b]).wait()

    return sc_scatter


def kernel(X, W1, b1, W2, b2):
    B, N, FD = X.shape
    D = W1.shape[1]
    R = B * N

    nv1, nv2 = pl.pallas_call(
        _nodevec_body,
        grid=(B,),
        in_specs=[
            pl.BlockSpec((1, N, FD), lambda b: (b, 0, 0)),
            pl.BlockSpec((FD, D), lambda b: (0, 0)),
            pl.BlockSpec((D,), lambda b: (0,)),
            pl.BlockSpec((FD, D), lambda b: (0, 0)),
            pl.BlockSpec((D,), lambda b: (0,)),
        ],
        out_specs=[
            pl.BlockSpec((1, N, D), lambda b: (b, 0, 0)),
            pl.BlockSpec((1, N, D), lambda b: (b, 0, 0)),
        ],
        out_shape=[
            jax.ShapeDtypeStruct((B, N, D), jnp.float32),
            jax.ShapeDtypeStruct((B, N, D), jnp.float32),
        ],
    )(X, W1, b1, W2, b2)

    vals, idxs = pl.pallas_call(
        functools.partial(_topk_body, n_rows=TR),
        grid=(B, N // TR),
        in_specs=[
            pl.BlockSpec((1, N, D), lambda b, r: (b, 0, 0)),
            pl.BlockSpec((1, N, D), lambda b, r: (b, 0, 0)),
        ],
        out_specs=[
            pl.BlockSpec((1, TR, K), lambda b, r: (b, r, 0)),
            pl.BlockSpec((1, TR, K), lambda b, r: (b, r, 0)),
        ],
        out_shape=[
            jax.ShapeDtypeStruct((B, N, K), jnp.float32),
            jax.ShapeDtypeStruct((B, N, K), jnp.int32),
        ],
        compiler_params=pltpu.CompilerParams(
            dimension_semantics=("parallel", "arbitrary"),
        ),
    )(nv1, nv2)

    rpw = R // 32
    out = _make_sc_scatter(R, N, rpw)(vals.reshape(R * K), idxs.reshape(R * K))
    return out.reshape(B, N, N)

# --- scband reference (transcript-rebuilt; emitter-appended) ---
"""Pipeline reference for scband-model-14585708937600 (READ-ONLY COPY).

The authoritative reference and input builder live on the scoring server;
editing this copy changes nothing except your own understanding.
"""

import jax, jax.numpy as jnp
import numpy as np

B, N, FD, D, K = 4, 4096, 16, 16, 8
ALPHA = 3.0

def setup_inputs(seed: int = 0) -> dict:
    key = jax.random.key(seed)
    ks = jax.random.split(key, 5)
    X = jax.random.normal(ks[0], (B, N, FD), dtype=jnp.float32)
    W1 = jax.random.normal(ks[1], (FD, D), dtype=jnp.float32) * (1.0 / np.sqrt(FD))
    b1 = jnp.zeros((D,), dtype=jnp.float32)
    W2 = jax.random.normal(ks[2], (FD, D), dtype=jnp.float32) * (1.0 / np.sqrt(FD))
    b2 = jnp.zeros((D,), dtype=jnp.float32)
    return {"X": X, "W1": W1, "b1": b1, "W2": W2, "b2": b2}

def reference(X, W1, b1, W2, b2):
    # graph_constructor.forward with static_feat=1: nodevec1 = nodevec2 = X
    nodevec1 = jnp.tanh(ALPHA * (X @ W1 + b1))
    nodevec2 = jnp.tanh(ALPHA * (X @ W2 + b2))
    a = jnp.matmul(nodevec1, nodevec2.transpose(0, 2, 1)) - jnp.matmul(nodevec2, nodevec1.transpose(0, 2, 1))
    adj = jax.nn.relu(jnp.tanh(ALPHA * a))
    # top-k along last dim; mask = 1 at top-k positions (torch scatter_ with s1.fill_(1))
    s1, t1 = jax.lax.top_k(adj, K)
    bi = jnp.arange(B)[:, None, None]
    ri = jnp.arange(N)[None, :, None]
    mask = jnp.zeros((B, N, N), dtype=adj.dtype).at[bi, ri, t1].set(1.0)
    return adj * mask

if __name__ == "__main__":
    import jax
    _d = setup_inputs()
    print(jax.jit(kernel)(*tuple(_d.values())))

</pallas_src>

<mosaic_0001>
#map = affine_map<(d0, d1) -> (0)>
#map1 = affine_map<(d0, d1) -> (0, 0)>
module attributes {stable_mosaic.version = 14 : i64} {
  func.func @sc_scatter(%arg0: i32, %arg1: i32, %arg2: memref<131072xf32, #tpu.memory_space<hbm>>, %arg3: memref<131072xi32, #tpu.memory_space<hbm>>, %arg4: memref<16384x4096xf32, #tpu.memory_space<hbm>>, %arg5: memref<4112xi32, #tpu.memory_space<vmem>>, %arg6: memref<4112xf32, #tpu.memory_space<vmem>>, %arg7: memref<4096xf32, #tpu.memory_space<vmem>>, %arg8: memref<4096xf32, #tpu.memory_space<vmem>>, %arg9: memref<!tpu.dma_semaphore, #tpu.memory_space<semaphore_mem>>, %arg10: memref<!tpu.dma_semaphore, #tpu.memory_space<semaphore_mem>>) attributes {dimension_semantics = [#tpu.dimension_semantics<core_parallel>, #tpu.dimension_semantics<subcore_parallel>], iteration_bounds = array<i64: 2, 16>, scalar_prefetch = 0 : i64, scratch_operands = 6 : i64, tpu.core_type = #tpu.core_type<sc_vector_subcore>, window_params = [{transform_indices = #map}, {transform_indices = #map}, {transform_indices = #map1}]} {
    %mul3A = arith.constant 2 : i32
    %mul3A_0 = arith.muli %arg1, %mul3A : i32
    %add3A = arith.addi %mul3A_0, %arg0 : i32
    %mul3A_1 = arith.constant 512 : i32
    %mul3A_2 = arith.muli %add3A, %mul3A_1 : i32
    %mul3A_3 = arith.constant 8 : i32
    %mul3A_4 = arith.muli %mul3A_2, %mul3A_3 : i32
    "tpu.region"() ({
      %run_scoped3A = tpu.sem_alloc : memref<!tpu.dma_semaphore, #tpu.memory_space<semaphore_mem>>
      %dma_start3A_56 = arith.constant 0 : i32
      %dma_start3A_57 = tpu.memref_slice %arg5[%dma_start3A_56] : memref<4112xi32, #tpu.memory_space<vmem>> -> memref<4096xi32, #tpu.memory_space<vmem>>
      %dma_start3A_58 = tpu.memref_slice %arg3[%mul3A_4] : memref<131072xi32, #tpu.memory_space<hbm>> -> memref<4096xi32, #tpu.memory_space<hbm>>
      %dma_start3A_59 = arith.constant 0 : i32
      %dma_start3A_60 = tpu.memref_slice %arg5[%dma_start3A_59] : memref<4112xi32, #tpu.memory_space<vmem>> -> memref<4096xi32, #tpu.memory_space<vmem>>
      %dma_start3A_61 = tpu.memref_slice %arg3[%mul3A_4] : memref<131072xi32, #tpu.memory_space<hbm>> -> memref<4096xi32, #tpu.memory_space<hbm>>
      tpu.enqueue_dma source(%dma_start3A_61 : memref<4096xi32, #tpu.memory_space<hbm>>) target(%dma_start3A_60 : memref<4096xi32, #tpu.memory_space<vmem>>) target_semaphore(%run_scoped3A : memref<!tpu.dma_semaphore, #tpu.memory_space<semaphore_mem>>)
      %dma_wait3A_62 = arith.constant 0 : i32
      %dma_wait3A_63 = tpu.memref_slice %arg5[%dma_wait3A_62] : memref<4112xi32, #tpu.memory_space<vmem>> -> memref<4096xi32, #tpu.memory_space<vmem>>
      %dma_wait3A_64 = tpu.memref_slice %arg3[%mul3A_4] : memref<131072xi32, #tpu.memory_space<hbm>> -> memref<4096xi32, #tpu.memory_space<hbm>>
      %dma_wait3A_65 = arith.constant 0 : i32
      %dma_wait3A_66 = tpu.memref_slice %arg5[%dma_wait3A_65] : memref<4112xi32, #tpu.memory_space<vmem>> -> memref<4096xi32, #tpu.memory_space<vmem>>
      %dma_wait3A_67 = tpu.memref_slice %arg3[%mul3A_4] : memref<131072xi32, #tpu.memory_space<hbm>> -> memref<4096xi32, #tpu.memory_space<hbm>>
      tpu.wait_dma2 semaphore(%run_scoped3A : memref<!tpu.dma_semaphore, #tpu.memory_space<semaphore_mem>>) src(%dma_wait3A_67 : memref<4096xi32, #tpu.memory_space<hbm>>) dst(%dma_wait3A_66 : memref<4096xi32, #tpu.memory_space<vmem>>)
      tpu.yield
    }) : () -> ()
    %mul3A_5 = arith.constant 8 : i32
    %mul3A_6 = arith.muli %mul3A_2, %mul3A_5 : i32
    "tpu.region"() ({
      %run_scoped3A = tpu.sem_alloc : memref<!tpu.dma_semaphore, #tpu.memory_space<semaphore_mem>>
      %dma_start3A_56 = arith.constant 0 : i32
      %dma_start3A_57 = tpu.memref_slice %arg6[%dma_start3A_56] : memref<4112xf32, #tpu.memory_space<vmem>> -> memref<4096xf32, #tpu.memory_space<vmem>>
      %dma_start3A_58 = tpu.memref_slice %arg2[%mul3A_6] : memref<131072xf32, #tpu.memory_space<hbm>> -> memref<4096xf32, #tpu.memory_space<hbm>>
      %dma_start3A_59 = arith.constant 0 : i32
      %dma_start3A_60 = tpu.memref_slice %arg6[%dma_start3A_59] : memref<4112xf32, #tpu.memory_space<vmem>> -> memref<4096xf32, #tpu.memory_space<vmem>>
      %dma_start3A_61 = tpu.memref_slice %arg2[%mul3A_6] : memref<131072xf32, #tpu.memory_space<hbm>> -> memref<4096xf32, #tpu.memory_space<hbm>>
      tpu.enqueue_dma source(%dma_start3A_61 : memref<4096xf32, #tpu.memory_space<hbm>>) target(%dma_start3A_60 : memref<4096xf32, #tpu.memory_space<vmem>>) target_semaphore(%run_scoped3A : memref<!tpu.dma_semaphore, #tpu.memory_space<semaphore_mem>>)
      %dma_wait3A_62 = arith.constant 0 : i32
      %dma_wait3A_63 = tpu.memref_slice %arg6[%dma_wait3A_62] : memref<4112xf32, #tpu.memory_space<vmem>> -> memref<4096xf32, #tpu.memory_space<vmem>>
      %dma_wait3A_64 = tpu.memref_slice %arg2[%mul3A_6] : memref<131072xf32, #tpu.memory_space<hbm>> -> memref<4096xf32, #tpu.memory_space<hbm>>
      %dma_wait3A_65 = arith.constant 0 : i32
      %dma_wait3A_66 = tpu.memref_slice %arg6[%dma_wait3A_65] : memref<4112xf32, #tpu.memory_space<vmem>> -> memref<4096xf32, #tpu.memory_space<vmem>>
      %dma_wait3A_67 = tpu.memref_slice %arg2[%mul3A_6] : memref<131072xf32, #tpu.memory_space<hbm>> -> memref<4096xf32, #tpu.memory_space<hbm>>
      tpu.wait_dma2 semaphore(%run_scoped3A : memref<!tpu.dma_semaphore, #tpu.memory_space<semaphore_mem>>) src(%dma_wait3A_67 : memref<4096xf32, #tpu.memory_space<hbm>>) dst(%dma_wait3A_66 : memref<4096xf32, #tpu.memory_space<vmem>>)
      tpu.yield
    }) : () -> ()
    %broadcast_in_dim3A = arith.constant 0.000000e+00 : f32
    %broadcast_in_dim3A_7 = vector.broadcast %broadcast_in_dim3A : f32 to vector<16xf32>
    %iota3A = tpu.iota {dimensions = array<i32: 0>} : vector<16xi32>
    %lt3A = arith.constant 8 : i32
    %lt3A_8 = vector.broadcast %lt3A : i32 to vector<16xi32>
    %lt3A_9 = arith.cmpi slt, %iota3A, %lt3A_8 : vector<16xi32>
    %scan3A = arith.constant 0 : i32
    %scan3A_10 = arith.constant 256 : i32
    %scan3A_11 = arith.addi %scan3A, %scan3A_10 : i32
    %scan3A_12 = arith.constant 1 : i32
    scf.for %scan3A_56 = %scan3A to %scan3A_11 step %scan3A_12  : i32 {
      %mul3A_57 = arith.constant 16 : i32
      %mul3A_58 = arith.muli %scan3A_56, %mul3A_57 : i32
      %swap3A = arith.index_cast %mul3A_58 : i32 to index
      %swap3A_59 = tpu.vector_load %arg7[%swap3A] {strides = array<i32>} : memref<4096xf32, #tpu.memory_space<vmem>>, vector<16xf32>,
      tpu.vector_store %arg7[%swap3A], %broadcast_in_dim3A_7 {strides = array<i32>} : memref<4096xf32, #tpu.memory_space<vmem>>, vector<16xf32>,
      %mul3A_60 = arith.constant 16 : i32
      %mul3A_61 = arith.muli %scan3A_56, %mul3A_60 : i32
      %swap3A_62 = arith.index_cast %mul3A_61 : i32 to index
      %swap3A_63 = tpu.vector_load %arg8[%swap3A_62] {strides = array<i32>} : memref<4096xf32, #tpu.memory_space<vmem>>, vector<16xf32>,
      tpu.vector_store %arg8[%swap3A_62], %broadcast_in_dim3A_7 {strides = array<i32>} : memref<4096xf32, #tpu.memory_space<vmem>>, vector<16xf32>,
    }
    %scan3A_13 = arith.constant 256 : i32
    %get3A = arith.constant 0 : index
    %get3A_14 = tpu.vector_load %arg5[%get3A] {strides = array<i32>} : memref<4112xi32, #tpu.memory_space<vmem>>, vector<16xi32>,
    %get3A_15 = arith.constant 0 : index
    %get3A_16 = tpu.vector_load %arg6[%get3A_15] {strides = array<i32>} : memref<4112xf32, #tpu.memory_space<vmem>>, vector<16xf32>,
    tpu.vector_store_idx %arg7[%get3A_14], %get3A_16 masked %lt3A_9 : memref<4096xf32, #tpu.memory_space<vmem>>[vector<16xi32>], vector<16xf32>, vector<16xi1>
    %add3A_17 = arith.constant 0 : i32
    %add3A_18 = arith.addi %mul3A_2, %add3A_17 : i32
    %dma_start3A = arith.constant 0 : i32
    %dma_start3A_19 = tpu.memref_slice %arg4[%add3A_18, %dma_start3A] : memref<16384x4096xf32, #tpu.memory_space<hbm>> -> memref<1x4096xf32, #tpu.memory_space<hbm>>
    %dma_start3A_20 = tpu.memref_squeeze %dma_start3A_19 : memref<1x4096xf32, #tpu.memory_space<hbm>> -> memref<4096xf32, #tpu.memory_space<hbm>>
    %dma_start3A_21 = arith.constant 0 : i32
    %dma_start3A_22 = tpu.memref_slice %arg4[%add3A_18, %dma_start3A_21] : memref<16384x4096xf32, #tpu.memory_space<hbm>> -> memref<1x4096xf32, #tpu.memory_space<hbm>>
    %dma_start3A_23 = tpu.memref_squeeze %dma_start3A_22 : memref<1x4096xf32, #tpu.memory_space<hbm>> -> memref<4096xf32, #tpu.memory_space<hbm>>
    tpu.enqueue_dma source(%arg7 : memref<4096xf32, #tpu.memory_space<vmem>>) target(%dma_start3A_23 : memref<4096xf32, #tpu.memory_space<hbm>>) target_semaphore(%arg9 : memref<!tpu.dma_semaphore, #tpu.memory_space<semaphore_mem>>)
    %get3A_24 = arith.constant 8 : index
    %get3A_25 = tpu.vector_load %arg5[%get3A_24] {strides = array<i32>} : memref<4112xi32, #tpu.memory_space<vmem>>, vector<16xi32>,
    %get3A_26 = arith.constant 8 : index
    %get3A_27 = tpu.vector_load %arg6[%get3A_26] {strides = array<i32>} : memref<4112xf32, #tpu.memory_space<vmem>>, vector<16xf32>,
    tpu.vector_store_idx %arg8[%get3A_25], %get3A_27 masked %lt3A_9 : memref<4096xf32, #tpu.memory_space<vmem>>[vector<16xi32>], vector<16xf32>, vector<16xi1>
    %add3A_28 = arith.constant 1 : i32
    %add3A_29 = arith.addi %mul3A_2, %add3A_28 : i32
    %dma_start3A_30 = arith.constant 0 : i32
    %dma_start3A_31 = tpu.memref_slice %arg4[%add3A_29, %dma_start3A_30] : memref<16384x4096xf32, #tpu.memory_space<hbm>> -> memref<1x4096xf32, #tpu.memory_space<hbm>>
    %dma_start3A_32 = tpu.memref_squeeze %dma_start3A_31 : memref<1x4096xf32, #tpu.memory_space<hbm>> -> memref<4096xf32, #tpu.memory_space<hbm>>
    %dma_start3A_33 = arith.constant 0 : i32
    %dma_start3A_34 = tpu.memref_slice %arg4[%add3A_29, %dma_start3A_33] : memref<16384x4096xf32, #tpu.memory_space<hbm>> -> memref<1x4096xf32, #tpu.memory_space<hbm>>
    %dma_start3A_35 = tpu.memref_squeeze %dma_start3A_34 : memref<1x4096xf32, #tpu.memory_space<hbm>> -> memref<4096xf32, #tpu.memory_space<hbm>>
    tpu.enqueue_dma source(%arg8 : memref<4096xf32, #tpu.memory_space<vmem>>) target(%dma_start3A_35 : memref<4096xf32, #tpu.memory_space<hbm>>) target_semaphore(%arg10 : memref<!tpu.dma_semaphore, #tpu.memory_space<semaphore_mem>>)
    %scan3A_36 = arith.constant 1 : i32
    %scan3A_37 = arith.constant 255 : i32
    %scan3A_38 = arith.addi %scan3A_36, %scan3A_37 : i32
    %scan3A_39 = arith.constant 1 : i32
    scf.for %scan3A_56 = %scan3A_36 to %scan3A_38 step %scan3A_39  : i32 {
      %mul3A_57 = arith.constant 2 : i32
      %mul3A_58 = arith.muli %scan3A_56, %mul3A_57 : i32
      %add3A_59 = arith.constant 0 : i32
      %add3A_60 = arith.addi %mul3A_58, %add3A_59 : i32
      %sub3A = arith.constant 2 : i32
      %sub3A_61 = arith.subi %add3A_60, %sub3A : i32
      %add3A_62 = arith.addi %mul3A_2, %sub3A_61 : i32
      %dma_wait3A_63 = arith.constant 0 : i32
      %dma_wait3A_64 = tpu.memref_slice %arg4[%add3A_62, %dma_wait3A_63] : memref<16384x4096xf32, #tpu.memory_space<hbm>> -> memref<1x4096xf32, #tpu.memory_space<hbm>>
      %dma_wait3A_65 = tpu.memref_squeeze %dma_wait3A_64 : memref<1x4096xf32, #tpu.memory_space<hbm>> -> memref<4096xf32, #tpu.memory_space<hbm>>
      %dma_wait3A_66 = arith.constant 0 : i32
      %dma_wait3A_67 = tpu.memref_slice %arg4[%add3A_62, %dma_wait3A_66] : memref<16384x4096xf32, #tpu.memory_space<hbm>> -> memref<1x4096xf32, #tpu.memory_space<hbm>>
      %dma_wait3A_68 = tpu.memref_squeeze %dma_wait3A_67 : memref<1x4096xf32, #tpu.memory_space<hbm>> -> memref<4096xf32, #tpu.memory_space<hbm>>
      tpu.wait_dma2 semaphore(%arg9 : memref<!tpu.dma_semaphore, #tpu.memory_space<semaphore_mem>>) src(%arg7 : memref<4096xf32, #tpu.memory_space<vmem>>) dst(%dma_wait3A_68 : memref<4096xf32, #tpu.memory_space<hbm>>)
      %mul3A_69 = arith.constant 8 : i32
      %mul3A_70 = arith.muli %sub3A_61, %mul3A_69 : i32
      %get3A_71 = arith.index_cast %mul3A_70 : i32 to index
      %get3A_72 = tpu.vector_load %arg5[%get3A_71] {strides = array<i32>} : memref<4112xi32, #tpu.memory_space<vmem>>, vector<16xi32>,
      tpu.vector_store_idx %arg7[%get3A_72], %broadcast_in_dim3A_7 masked %lt3A_9 : memref<4096xf32, #tpu.memory_space<vmem>>[vector<16xi32>], vector<16xf32>, vector<16xi1>
      %mul3A_73 = arith.constant 8 : i32
      %mul3A_74 = arith.muli %add3A_60, %mul3A_73 : i32
      %get3A_75 = arith.index_cast %mul3A_74 : i32 to index
      %get3A_76 = tpu.vector_load %arg5[%get3A_75] {strides = array<i32>} : memref<4112xi32, #tpu.memory_space<vmem>>, vector<16xi32>,
      %mul3A_77 = arith.constant 8 : i32
      %mul3A_78 = arith.muli %add3A_60, %mul3A_77 : i32
      %get3A_79 = arith.index_cast %mul3A_78 : i32 to index
      %get3A_80 = tpu.vector_load %arg6[%get3A_79] {strides = array<i32>} : memref<4112xf32, #tpu.memory_space<vmem>>, vector<16xf32>,
      tpu.vector_store_idx %arg7[%get3A_76], %get3A_80 masked %lt3A_9 : memref<4096xf32, #tpu.memory_space<vmem>>[vector<16xi32>], vector<16xf32>, vector<16xi1>
      %add3A_81 = arith.addi %mul3A_2, %add3A_60 : i32
      %dma_start3A_82 = arith.constant 0 : i32
      %dma_start3A_83 = tpu.memref_slice %arg4[%add3A_81, %dma_start3A_82] : memref<16384x4096xf32, #tpu.memory_space<hbm>> -> memref<1x4096xf32, #tpu.memory_space<hbm>>
      %dma_start3A_84 = tpu.memref_squeeze %dma_start3A_83 : memref<1x4096xf32, #tpu.memory_space<hbm>> -> memref<4096xf32, #tpu.memory_space<hbm>>
      %dma_start3A_85 = arith.constant 0 : i32
      %dma_start3A_86 = tpu.memref_slice %arg4[%add3A_81, %dma_start3A_85] : memref<16384x4096xf32, #tpu.memory_space<hbm>> -> memref<1x4096xf32, #tpu.memory_space<hbm>>
      %dma_start3A_87 = tpu.memref_squeeze %dma_start3A_86 : memref<1x4096xf32, #tpu.memory_space<hbm>> -> memref<4096xf32, #tpu.memory_space<hbm>>
      tpu.enqueue_dma source(%arg7 : memref<4096xf32, #tpu.memory_space<vmem>>) target(%dma_start3A_87 : memref<4096xf32, #tpu.memory_space<hbm>>) target_semaphore(%arg9 : memref<!tpu.dma_semaphore, #tpu.memory_space<semaphore_mem>>)
      %add3A_88 = arith.constant 1 : i32
      %add3A_89 = arith.addi %mul3A_58, %add3A_88 : i32
      %sub3A_90 = arith.constant 2 : i32
      %sub3A_91 = arith.subi %add3A_89, %sub3A_90 : i32
      %add3A_92 = arith.addi %mul3A_2, %sub3A_91 : i32
      %dma_wait3A_93 = arith.constant 0 : i32
      %dma_wait3A_94 = tpu.memref_slice %arg4[%add3A_92, %dma_wait3A_93] : memref<16384x4096xf32, #tpu.memory_space<hbm>> -> memref<1x4096xf32, #tpu.memory_space<hbm>>
      %dma_wait3A_95 = tpu.memref_squeeze %dma_wait3A_94 : memref<1x4096xf32, #tpu.memory_space<hbm>> -> memref<4096xf32, #tpu.memory_space<hbm>>
      %dma_wait3A_96 = arith.constant 0 : i32
      %dma_wait3A_97 = tpu.memref_slice %arg4[%add3A_92, %dma_wait3A_96] : memref<16384x4096xf32, #tpu.memory_space<hbm>> -> memref<1x4096xf32, #tpu.memory_space<hbm>>
      %dma_wait3A_98 = tpu.memref_squeeze %dma_wait3A_97 : memref<1x4096xf32, #tpu.memory_space<hbm>> -> memref<4096xf32, #tpu.memory_space<hbm>>
      tpu.wait_dma2 semaphore(%arg10 : memref<!tpu.dma_semaphore, #tpu.memory_space<semaphore_mem>>) src(%arg8 : memref<4096xf32, #tpu.memory_space<vmem>>) dst(%dma_wait3A_98 : memref<4096xf32, #tpu.memory_space<hbm>>)
      %mul3A_99 = arith.constant 8 : i32
      %mul3A_100 = arith.muli %sub3A_91, %mul3A_99 : i32
      %get3A_101 = arith.index_cast %mul3A_100 : i32 to index
      %get3A_102 = tpu.vector_load %arg5[%get3A_101] {strides = array<i32>} : memref<4112xi32, #tpu.memory_space<vmem>>, vector<16xi32>,
      tpu.vector_store_idx %arg8[%get3A_102], %broadcast_in_dim3A_7 masked %lt3A_9 : memref<4096xf32, #tpu.memory_space<vmem>>[vector<16xi32>], vector<16xf32>, vector<16xi1>
      %mul3A_103 = arith.constant 8 : i32
      %mul3A_104 = arith.muli %add3A_89, %mul3A_103 : i32
      %get3A_105 = arith.index_cast %mul3A_104 : i32 to index
      %get3A_106 = tpu.vector_load %arg5[%get3A_105] {strides = array<i32>} : memref<4112xi32, #tpu.memory_space<vmem>>, vector<16xi32>,
      %mul3A_107 = arith.constant 8 : i32
      %mul3A_108 = arith.muli %add3A_89, %mul3A_107 : i32
      %get3A_109 = arith.index_cast %mul3A_108 : i32 to index
      %get3A_110 = tpu.vector_load %arg6[%get3A_109] {strides = array<i32>} : memref<4112xf32, #tpu.memory_space<vmem>>, vector<16xf32>,
      tpu.vector_store_idx %arg8[%get3A_106], %get3A_110 masked %lt3A_9 : memref<4096xf32, #tpu.memory_space<vmem>>[vector<16xi32>], vector<16xf32>, vector<16xi1>
      %add3A_111 = arith.addi %mul3A_2, %add3A_89 : i32
      %dma_start3A_112 = arith.constant 0 : i32
      %dma_start3A_113 = tpu.memref_slice %arg4[%add3A_111, %dma_start3A_112] : memref<16384x4096xf32, #tpu.memory_space<hbm>> -> memref<1x4096xf32, #tpu.memory_space<hbm>>
      %dma_start3A_114 = tpu.memref_squeeze %dma_start3A_113 : memref<1x4096xf32, #tpu.memory_space<hbm>> -> memref<4096xf32, #tpu.memory_space<hbm>>
      %dma_start3A_115 = arith.constant 0 : i32
      %dma_start3A_116 = tpu.memref_slice %arg4[%add3A_111, %dma_start3A_115] : memref<16384x4096xf32, #tpu.memory_space<hbm>> -> memref<1x4096xf32, #tpu.memory_space<hbm>>
      %dma_start3A_117 = tpu.memref_squeeze %dma_start3A_116 : memref<1x4096xf32, #tpu.memory_space<hbm>> -> memref<4096xf32, #tpu.memory_space<hbm>>
      tpu.enqueue_dma source(%arg8 : memref<4096xf32, #tpu.memory_space<vmem>>) target(%dma_start3A_117 : memref<4096xf32, #tpu.memory_space<hbm>>) target_semaphore(%arg10 : memref<!tpu.dma_semaphore, #tpu.memory_space<semaphore_mem>>)
    }
    %scan3A_40 = arith.constant 255 : i32
    %add3A_41 = arith.constant 510 : i32
    %add3A_42 = arith.addi %mul3A_2, %add3A_41 : i32
    %dma_wait3A = arith.constant 0 : i32
    %dma_wait3A_43 = tpu.memref_slice %arg4[%add3A_42, %dma_wait3A] : memref<16384x4096xf32, #tpu.memory_space<hbm>> -> memref<1x4096xf32, #tpu.memory_space<hbm>>
    %dma_wait3A_44 = tpu.memref_squeeze %dma_wait3A_43 : memref<1x4096xf32, #tpu.memory_space<hbm>> -> memref<4096xf32, #tpu.memory_space<hbm>>
    %dma_wait3A_45 = arith.constant 0 : i32
    %dma_wait3A_46 = tpu.memref_slice %arg4[%add3A_42, %dma_wait3A_45] : memref<16384x4096xf32, #tpu.memory_space<hbm>> -> memref<1x4096xf32, #tpu.memory_space<hbm>>
    %dma_wait3A_47 = tpu.memref_squeeze %dma_wait3A_46 : memref<1x4096xf32, #tpu.memory_space<hbm>> -> memref<4096xf32, #tpu.memory_space<hbm>>
    tpu.wait_dma2 semaphore(%arg9 : memref<!tpu.dma_semaphore, #tpu.memory_space<semaphore_mem>>) src(%arg7 : memref<4096xf32, #tpu.memory_space<vmem>>) dst(%dma_wait3A_47 : memref<4096xf32, #tpu.memory_space<hbm>>)
    %add3A_48 = arith.constant 511 : i32
    %add3A_49 = arith.addi %mul3A_2, %add3A_48 : i32
    %dma_wait3A_50 = arith.constant 0 : i32
    %dma_wait3A_51 = tpu.memref_slice %arg4[%add3A_49, %dma_wait3A_50] : memref<16384x4096xf32, #tpu.memory_space<hbm>> -> memref<1x4096xf32, #tpu.memory_space<hbm>>
    %dma_wait3A_52 = tpu.memref_squeeze %dma_wait3A_51 : memref<1x4096xf32, #tpu.memory_space<hbm>> -> memref<4096xf32, #tpu.memory_space<hbm>>
    %dma_wait3A_53 = arith.constant 0 : i32
    %dma_wait3A_54 = tpu.memref_slice %arg4[%add3A_49, %dma_wait3A_53] : memref<16384x4096xf32, #tpu.memory_space<hbm>> -> memref<1x4096xf32, #tpu.memory_space<hbm>>
    %dma_wait3A_55 = tpu.memref_squeeze %dma_wait3A_54 : memref<1x4096xf32, #tpu.memory_space<hbm>> -> memref<4096xf32, #tpu.memory_space<hbm>>
    tpu.wait_dma2 semaphore(%arg10 : memref<!tpu.dma_semaphore, #tpu.memory_space<semaphore_mem>>) src(%arg8 : memref<4096xf32, #tpu.memory_space<vmem>>) dst(%dma_wait3A_55 : memref<4096xf32, #tpu.memory_space<hbm>>)
    return
  }
}

module attributes {stable_mosaic.version = 14 : i64} {
  func.func @_topk_body(%arg0: i32, %arg1: i32, %arg2: memref<1x4096x16xf32, #tpu.memory_space<vmem>>, %arg3: memref<1x4096x16xf32, #tpu.memory_space<vmem>>, %arg4: memref<1x512x8xf32, #tpu.memory_space<vmem>>, %arg5: memref<1x512x8xi32, #tpu.memory_space<vmem>>) attributes {dimension_semantics = [#tpu.dimension_semantics<parallel>, #tpu.dimension_semantics<arbitrary>], iteration_bounds = array<i64: 4, 8>, scalar_prefetch = 0 : i64, scratch_operands = 0 : i64, tpu.core_type = #tpu.core_type<tc>, window_params = [{transform_indices = @transform_0, window_bounds = array<i64: 1, 4096, 16>}, {transform_indices = @transform_1, window_bounds = array<i64: 1, 4096, 16>}, {transform_indices = @transform_2, window_bounds = array<i64: 1, 512, 8>}, {transform_indices = @transform_3, window_bounds = array<i64: 1, 512, 8>}]} {
    %get3A = arith.constant 0 : index
    %get3A_0 = arith.constant 0 : index
    %get3A_1 = arith.constant 0 : index
    %get3A_2 = vector.load %arg2[%get3A, %get3A_0, %get3A_1] : memref<1x4096x16xf32, #tpu.memory_space<vmem>>, vector<1x4096x16xf32>
    %get3A_3 = vector.shape_cast %get3A_2 : vector<1x4096x16xf32> to vector<4096x16xf32>
    %get3A_4 = arith.constant 0 : index
    %get3A_5 = arith.constant 0 : index
    %get3A_6 = arith.constant 0 : index
    %get3A_7 = vector.load %arg3[%get3A_4, %get3A_5, %get3A_6] : memref<1x4096x16xf32, #tpu.memory_space<vmem>>, vector<1x4096x16xf32>
    %get3A_8 = vector.shape_cast %get3A_7 : vector<1x4096x16xf32> to vector<4096x16xf32>
    %mul3A = arith.constant 512 : i32
    %mul3A_9 = arith.muli %arg1, %mul3A : i32
    %get3A_10 = arith.constant 0 : index
    %get3A_11 = arith.index_cast %mul3A_9 : i32 to index
    %get3A_12 = arith.constant 0 : index
    %get3A_13 = vector.load %arg2[%get3A_10, %get3A_11, %get3A_12] : memref<1x4096x16xf32, #tpu.memory_space<vmem>>, vector<1x512x16xf32>
    %get3A_14 = vector.shape_cast %get3A_13 : vector<1x512x16xf32> to vector<512x16xf32>
    %mul3A_15 = arith.constant 512 : i32
    %mul3A_16 = arith.muli %arg1, %mul3A_15 : i32
    %get3A_17 = arith.constant 0 : index
    %get3A_18 = arith.index_cast %mul3A_16 : i32 to index
    %get3A_19 = arith.constant 0 : index
    %get3A_20 = vector.load %arg3[%get3A_17, %get3A_18, %get3A_19] : memref<1x4096x16xf32, #tpu.memory_space<vmem>>, vector<1x512x16xf32>
    %get3A_21 = vector.shape_cast %get3A_20 : vector<1x512x16xf32> to vector<512x16xf32>
    %dot_general3A = arith.constant dense<0.000000e+00> : vector<512x4096xf32>
    %dot_general3A_22 = tpu.matmul %get3A_14, %get3A_8, %dot_general3A {dimension_numbers = #tpu.dot_dimension_numbers<[1], [1], [0], [0], [0, 0, 1, 0], [], []>, transpose_lhs_hint = false} : vector<512x16xf32>, vector<4096x16xf32>, vector<512x4096xf32> -> vector<512x4096xf32>
    %dot_general3A_23 = arith.constant dense<0.000000e+00> : vector<512x4096xf32>
    %dot_general3A_24 = tpu.matmul %get3A_21, %get3A_3, %dot_general3A_23 {dimension_numbers = #tpu.dot_dimension_numbers<[1], [1], [0], [0], [0, 0, 1, 0], [], []>, transpose_lhs_hint = false} : vector<512x16xf32>, vector<4096x16xf32>, vector<512x4096xf32> -> vector<512x4096xf32>
    %sub3A = arith.subf %dot_general3A_22, %dot_general3A_24 : vector<512x4096xf32>
    %mul3A_25 = arith.constant 3.000000e+00 : f32
    %mul3A_26 = vector.broadcast %mul3A_25 : f32 to vector<512x4096xf32>
    %mul3A_27 = arith.mulf %mul3A_26, %sub3A : vector<512x4096xf32>
    %tanh3A = math.tanh %mul3A_27 : vector<512x4096xf32>
    %max3A = arith.constant 0.000000e+00 : f32
    %max3A_28 = vector.broadcast %max3A : f32 to vector<512x4096xf32>
    %max3A_29 = arith.maximumf %tanh3A, %max3A_28 : vector<512x4096xf32>
    %iota3A = tpu.iota {dimensions = array<i32: 1>} : vector<512x4096xi32>
    %convert_element_type3A = arith.sitofp %iota3A : vector<512x4096xi32> to vector<512x4096xf32>
    %reduce_max3A = arith.constant dense<0xFF800000> : vector<512xf32>
    %reduce_max3A_30 = vector.multi_reduction <maximumf>, %max3A_29, %reduce_max3A [1] : vector<512x4096xf32> to vector<512xf32>
    %broadcast_in_dim3A = vector.shape_cast %reduce_max3A_30 : vector<512xf32> to vector<512x1xf32>
    %eq3A = vector.broadcast %broadcast_in_dim3A : vector<512x1xf32> to vector<512x4096xf32>
    %eq3A_31 = arith.cmpf oeq, %max3A_29, %eq3A : vector<512x4096xf32>
    %jit3A = arith.constant 4.096000e+03 : f32
    %broadcast_in_dim3A_32 = vector.broadcast %jit3A : f32 to vector<512x4096xf32>
    %select_n3A = arith.select %eq3A_31, %convert_element_type3A, %broadcast_in_dim3A_32 : vector<512x4096xi1>, vector<512x4096xf32>
    %reduce_min3A = arith.constant dense<0x7F800000> : vector<512xf32>
    %reduce_min3A_33 = vector.multi_reduction <minimumf>, %select_n3A, %reduce_min3A [1] : vector<512x4096xf32> to vector<512xf32>
    %broadcast_in_dim3A_34 = vector.shape_cast %reduce_min3A_33 : vector<512xf32> to vector<512x1xf32>
    %eq3A_35 = vector.broadcast %broadcast_in_dim3A_34 : vector<512x1xf32> to vector<512x4096xf32>
    %eq3A_36 = arith.cmpf oeq, %convert_element_type3A, %eq3A_35 : vector<512x4096xf32>
    %jit3A_37 = arith.constant -1.000000e+00 : f32
    %broadcast_in_dim3A_38 = vector.broadcast %jit3A_37 : f32 to vector<512x4096xf32>
    %select_n3A_39 = arith.select %eq3A_36, %broadcast_in_dim3A_38, %max3A_29 : vector<512x4096xi1>, vector<512x4096xf32>
    %reduce_max3A_40 = arith.constant dense<0xFF800000> : vector<512xf32>
    %reduce_max3A_41 = vector.multi_reduction <maximumf>, %select_n3A_39, %reduce_max3A_40 [1] : vector<512x4096xf32> to vector<512xf32>
    %broadcast_in_dim3A_42 = vector.shape_cast %reduce_max3A_41 : vector<512xf32> to vector<512x1xf32>
    %eq3A_43 = vector.broadcast %broadcast_in_dim3A_42 : vector<512x1xf32> to vector<512x4096xf32>
    %eq3A_44 = arith.cmpf oeq, %select_n3A_39, %eq3A_43 : vector<512x4096xf32>
    %jit3A_45 = arith.constant 4.096000e+03 : f32
    %broadcast_in_dim3A_46 = vector.broadcast %jit3A_45 : f32 to vector<512x4096xf32>
    %select_n3A_47 = arith.select %eq3A_44, %convert_element_type3A, %broadcast_in_dim3A_46 : vector<512x4096xi1>, vector<512x4096xf32>
    %reduce_min3A_48 = arith.constant dense<0x7F800000> : vector<512xf32>
    %reduce_min3A_49 = vector.multi_reduction <minimumf>, %select_n3A_47, %reduce_min3A_48 [1] : vector<512x4096xf32> to vector<512xf32>
    %broadcast_in_dim3A_50 = vector.shape_cast %reduce_min3A_49 : vector<512xf32> to vector<512x1xf32>
    %eq3A_51 = vector.broadcast %broadcast_in_dim3A_50 : vector<512x1xf32> to vector<512x4096xf32>
    %eq3A_52 = arith.cmpf oeq, %convert_element_type3A, %eq3A_51 : vector<512x4096xf32>
    %jit3A_53 = arith.constant -1.000000e+00 : f32
    %broadcast_in_dim3A_54 = vector.broadcast %jit3A_53 : f32 to vector<512x4096xf32>
    %select_n3A_55 = arith.select %eq3A_52, %broadcast_in_dim3A_54, %select_n3A_39 : vector<512x4096xi1>, vector<512x4096xf32>
    %reduce_max3A_56 = arith.constant dense<0xFF800000> : vector<512xf32>
    %reduce_max3A_57 = vector.multi_reduction <maximumf>, %select_n3A_55, %reduce_max3A_56 [1] : vector<512x4096xf32> to vector<512xf32>
    %broadcast_in_dim3A_58 = vector.shape_cast %reduce_max3A_57 : vector<512xf32> to vector<512x1xf32>
    %eq3A_59 = vector.broadcast %broadcast_in_dim3A_58 : vector<512x1xf32> to vector<512x4096xf32>
    %eq3A_60 = arith.cmpf oeq, %select_n3A_55, %eq3A_59 : vector<512x4096xf32>
    %jit3A_61 = arith.constant 4.096000e+03 : f32
    %broadcast_in_dim3A_62 = vector.broadcast %jit3A_61 : f32 to vector<512x4096xf32>
    %select_n3A_63 = arith.select %eq3A_60, %convert_element_type3A, %broadcast_in_dim3A_62 : vector<512x4096xi1>, vector<512x4096xf32>
    %reduce_min3A_64 = arith.constant dense<0x7F800000> : vector<512xf32>
    %reduce_min3A_65 = vector.multi_reduction <minimumf>, %select_n3A_63, %reduce_min3A_64 [1] : vector<512x4096xf32> to vector<512xf32>
    %broadcast_in_dim3A_66 = vector.shape_cast %reduce_min3A_65 : vector<512xf32> to vector<512x1xf32>
    %eq3A_67 = vector.broadcast %broadcast_in_dim3A_66 : vector<512x1xf32> to vector<512x4096xf32>
    %eq3A_68 = arith.cmpf oeq, %convert_element_type3A, %eq3A_67 : vector<512x4096xf32>
    %jit3A_69 = arith.constant -1.000000e+00 : f32
    %broadcast_in_dim3A_70 = vector.broadcast %jit3A_69 : f32 to vector<512x4096xf32>
    %select_n3A_71 = arith.select %eq3A_68, %broadcast_in_dim3A_70, %select_n3A_55 : vector<512x4096xi1>, vector<512x4096xf32>
    %reduce_max3A_72 = arith.constant dense<0xFF800000> : vector<512xf32>
    %reduce_max3A_73 = vector.multi_reduction <maximumf>, %select_n3A_71, %reduce_max3A_72 [1] : vector<512x4096xf32> to vector<512xf32>
    %broadcast_in_dim3A_74 = vector.shape_cast %reduce_max3A_73 : vector<512xf32> to vector<512x1xf32>
    %eq3A_75 = vector.broadcast %broadcast_in_dim3A_74 : vector<512x1xf32> to vector<512x4096xf32>
    %eq3A_76 = arith.cmpf oeq, %select_n3A_71, %eq3A_75 : vector<512x4096xf32>
    %jit3A_77 = arith.constant 4.096000e+03 : f32
    %broadcast_in_dim3A_78 = vector.broadcast %jit3A_77 : f32 to vector<512x4096xf32>
    %select_n3A_79 = arith.select %eq3A_76, %convert_element_type3A, %broadcast_in_dim3A_78 : vector<512x4096xi1>, vector<512x4096xf32>
    %reduce_min3A_80 = arith.constant dense<0x7F800000> : vector<512xf32>
    %reduce_min3A_81 = vector.multi_reduction <minimumf>, %select_n3A_79, %reduce_min3A_80 [1] : vector<512x4096xf32> to vector<512xf32>
    %broadcast_in_dim3A_82 = vector.shape_cast %reduce_min3A_81 : vector<512xf32> to vector<512x1xf32>
    %eq3A_83 = vector.broadcast %broadcast_in_dim3A_82 : vector<512x1xf32> to vector<512x4096xf32>
    %eq3A_84 = arith.cmpf oeq, %convert_element_type3A, %eq3A_83 : vector<512x4096xf32>
    %jit3A_85 = arith.constant -1.000000e+00 : f32
    %broadcast_in_dim3A_86 = vector.broadcast %jit3A_85 : f32 to vector<512x4096xf32>
    %select_n3A_87 = arith.select %eq3A_84, %broadcast_in_dim3A_86, %select_n3A_71 : vector<512x4096xi1>, vector<512x4096xf32>
    %reduce_max3A_88 = arith.constant dense<0xFF800000> : vector<512xf32>
    %reduce_max3A_89 = vector.multi_reduction <maximumf>, %select_n3A_87, %reduce_max3A_88 [1] : vector<512x4096xf32> to vector<512xf32>
    %broadcast_in_dim3A_90 = vector.shape_cast %reduce_max3A_89 : vector<512xf32> to vector<512x1xf32>
    %eq3A_91 = vector.broadcast %broadcast_in_dim3A_90 : vector<512x1xf32> to vector<512x4096xf32>
    %eq3A_92 = arith.cmpf oeq, %select_n3A_87, %eq3A_91 : vector<512x4096xf32>
    %jit3A_93 = arith.constant 4.096000e+03 : f32
    %broadcast_in_dim3A_94 = vector.broadcast %jit3A_93 : f32 to vector<512x4096xf32>
    %select_n3A_95 = arith.select %eq3A_92, %convert_element_type3A, %broadcast_in_dim3A_94 : vector<512x4096xi1>, vector<512x4096xf32>
    %reduce_min3A_96 = arith.constant dense<0x7F800000> : vector<512xf32>
    %reduce_min3A_97 = vector.multi_reduction <minimumf>, %select_n3A_95, %reduce_min3A_96 [1] : vector<512x4096xf32> to vector<512xf32>
    %broadcast_in_dim3A_98 = vector.shape_cast %reduce_min3A_97 : vector<512xf32> to vector<512x1xf32>
    %eq3A_99 = vector.broadcast %broadcast_in_dim3A_98 : vector<512x1xf32> to vector<512x4096xf32>
    %eq3A_100 = arith.cmpf oeq, %convert_element_type3A, %eq3A_99 : vector<512x4096xf32>
    %jit3A_101 = arith.constant -1.000000e+00 : f32
    %broadcast_in_dim3A_102 = vector.broadcast %jit3A_101 : f32 to vector<512x4096xf32>
    %select_n3A_103 = arith.select %eq3A_100, %broadcast_in_dim3A_102, %select_n3A_87 : vector<512x4096xi1>, vector<512x4096xf32>
    %reduce_max3A_104 = arith.constant dense<0xFF800000> : vector<512xf32>
    %reduce_max3A_105 = vector.multi_reduction <maximumf>, %select_n3A_103, %reduce_max3A_104 [1] : vector<512x4096xf32> to vector<512xf32>
    %broadcast_in_dim3A_106 = vector.shape_cast %reduce_max3A_105 : vector<512xf32> to vector<512x1xf32>
    %eq3A_107 = vector.broadcast %broadcast_in_dim3A_106 : vector<512x1xf32> to vector<512x4096xf32>
    %eq3A_108 = arith.cmpf oeq, %select_n3A_103, %eq3A_107 : vector<512x4096xf32>
    %jit3A_109 = arith.constant 4.096000e+03 : f32
    %broadcast_in_dim3A_110 = vector.broadcast %jit3A_109 : f32 to vector<512x4096xf32>
    %select_n3A_111 = arith.select %eq3A_108, %convert_element_type3A, %broadcast_in_dim3A_110 : vector<512x4096xi1>, vector<512x4096xf32>
    %reduce_min3A_112 = arith.constant dense<0x7F800000> : vector<512xf32>
    %reduce_min3A_113 = vector.multi_reduction <minimumf>, %select_n3A_111, %reduce_min3A_112 [1] : vector<512x4096xf32> to vector<512xf32>
    %broadcast_in_dim3A_114 = vector.shape_cast %reduce_min3A_113 : vector<512xf32> to vector<512x1xf32>
    %eq3A_115 = vector.broadcast %broadcast_in_dim3A_114 : vector<512x1xf32> to vector<512x4096xf32>
    %eq3A_116 = arith.cmpf oeq, %convert_element_type3A, %eq3A_115 : vector<512x4096xf32>
    %jit3A_117 = arith.constant -1.000000e+00 : f32
    %broadcast_in_dim3A_118 = vector.broadcast %jit3A_117 : f32 to vector<512x4096xf32>
    %select_n3A_119 = arith.select %eq3A_116, %broadcast_in_dim3A_118, %select_n3A_103 : vector<512x4096xi1>, vector<512x4096xf32>
    %reduce_max3A_120 = arith.constant dense<0xFF800000> : vector<512xf32>
    %reduce_max3A_121 = vector.multi_reduction <maximumf>, %select_n3A_119, %reduce_max3A_120 [1] : vector<512x4096xf32> to vector<512xf32>
    %broadcast_in_dim3A_122 = vector.shape_cast %reduce_max3A_121 : vector<512xf32> to vector<512x1xf32>
    %eq3A_123 = vector.broadcast %broadcast_in_dim3A_122 : vector<512x1xf32> to vector<512x4096xf32>
    %eq3A_124 = arith.cmpf oeq, %select_n3A_119, %eq3A_123 : vector<512x4096xf32>
    %jit3A_125 = arith.constant 4.096000e+03 : f32
    %broadcast_in_dim3A_126 = vector.broadcast %jit3A_125 : f32 to vector<512x4096xf32>
    %select_n3A_127 = arith.select %eq3A_124, %convert_element_type3A, %broadcast_in_dim3A_126 : vector<512x4096xi1>, vector<512x4096xf32>
    %reduce_min3A_128 = arith.constant dense<0x7F800000> : vector<512xf32>
    %reduce_min3A_129 = vector.multi_reduction <minimumf>, %select_n3A_127, %reduce_min3A_128 [1] : vector<512x4096xf32> to vector<512xf32>
    %broadcast_in_dim3A_130 = vector.shape_cast %reduce_min3A_129 : vector<512xf32> to vector<512x1xf32>
    %eq3A_131 = vector.broadcast %broadcast_in_dim3A_130 : vector<512x1xf32> to vector<512x4096xf32>
    %eq3A_132 = arith.cmpf oeq, %convert_element_type3A, %eq3A_131 : vector<512x4096xf32>
    %jit3A_133 = arith.constant -1.000000e+00 : f32
    %broadcast_in_dim3A_134 = vector.broadcast %jit3A_133 : f32 to vector<512x4096xf32>
    %select_n3A_135 = arith.select %eq3A_132, %broadcast_in_dim3A_134, %select_n3A_119 : vector<512x4096xi1>, vector<512x4096xf32>
    %reduce_max3A_136 = arith.constant dense<0xFF800000> : vector<512xf32>
    %reduce_max3A_137 = vector.multi_reduction <maximumf>, %select_n3A_135, %reduce_max3A_136 [1] : vector<512x4096xf32> to vector<512xf32>
    %broadcast_in_dim3A_138 = vector.shape_cast %reduce_max3A_137 : vector<512xf32> to vector<512x1xf32>
    %eq3A_139 = vector.broadcast %broadcast_in_dim3A_138 : vector<512x1xf32> to vector<512x4096xf32>
    %eq3A_140 = arith.cmpf oeq, %select_n3A_135, %eq3A_139 : vector<512x4096xf32>
    %jit3A_141 = arith.constant 4.096000e+03 : f32
    %broadcast_in_dim3A_142 = vector.broadcast %jit3A_141 : f32 to vector<512x4096xf32>
    %select_n3A_143 = arith.select %eq3A_140, %convert_element_type3A, %broadcast_in_dim3A_142 : vector<512x4096xi1>, vector<512x4096xf32>
    %reduce_min3A_144 = arith.constant dense<0x7F800000> : vector<512xf32>
    %reduce_min3A_145 = vector.multi_reduction <minimumf>, %select_n3A_143, %reduce_min3A_144 [1] : vector<512x4096xf32> to vector<512xf32>
    %broadcast_in_dim3A_146 = vector.shape_cast %reduce_min3A_145 : vector<512xf32> to vector<512x1xf32>
    %concatenate3A = tpu.concatenate %broadcast_in_dim3A, %broadcast_in_dim3A_42, %broadcast_in_dim3A_58, %broadcast_in_dim3A_74, %broadcast_in_dim3A_90, %broadcast_in_dim3A_106, %broadcast_in_dim3A_122, %broadcast_in_dim3A_138 in 1 : vector<512x1xf32>, vector<512x1xf32>, vector<512x1xf32>, vector<512x1xf32>, vector<512x1xf32>, vector<512x1xf32>, vector<512x1xf32>, vector<512x1xf32> -> vector<512x8xf32>
    %swap3A = arith.constant 0 : index
    %swap3A_147 = arith.constant 0 : index
    %swap3A_148 = arith.constant 0 : index
    %swap3A_149 = vector.load %arg4[%swap3A, %swap3A_147, %swap3A_148] : memref<1x512x8xf32, #tpu.memory_space<vmem>>, vector<1x512x8xf32>
    %swap3A_150 = vector.shape_cast %swap3A_149 : vector<1x512x8xf32> to vector<512x8xf32>
    %swap3A_151 = vector.shape_cast %concatenate3A : vector<512x8xf32> to vector<1x512x8xf32>
    tpu.vector_store %arg4[%swap3A, %swap3A_147, %swap3A_148], %swap3A_151 {strides = array<i32>} : memref<1x512x8xf32, #tpu.memory_space<vmem>>, vector<1x512x8xf32>,
    %concatenate3A_152 = tpu.concatenate %broadcast_in_dim3A_34, %broadcast_in_dim3A_50, %broadcast_in_dim3A_66, %broadcast_in_dim3A_82, %broadcast_in_dim3A_98, %broadcast_in_dim3A_114, %broadcast_in_dim3A_130, %broadcast_in_dim3A_146 in 1 : vector<512x1xf32>, vector<512x1xf32>, vector<512x1xf32>, vector<512x1xf32>, vector<512x1xf32>, vector<512x1xf32>, vector<512x1xf32>, vector<512x1xf32> -> vector<512x8xf32>
    %convert_element_type3A_153 = arith.fptosi %concatenate3A_152 : vector<512x8xf32> to vector<512x8xi32>
    %swap3A_154 = arith.constant 0 : index
    %swap3A_155 = arith.constant 0 : index
    %swap3A_156 = arith.constant 0 : index
    %swap3A_157 = vector.load %arg5[%swap3A_154, %swap3A_155, %swap3A_156] : memref<1x512x8xi32, #tpu.memory_space<vmem>>, vector<1x512x8xi32>
    %swap3A_158 = vector.shape_cast %swap3A_157 : vector<1x512x8xi32> to vector<512x8xi32>
    %swap3A_159 = vector.shape_cast %convert_element_type3A_153 : vector<512x8xi32> to vector<1x512x8xi32>
    tpu.vector_store %arg5[%swap3A_154, %swap3A_155, %swap3A_156], %swap3A_159 {strides = array<i32>} : memref<1x512x8xi32, #tpu.memory_space<vmem>>, vector<1x512x8xi32>,
    return
  }
  func.func @transform_0(%arg0: i32, %arg1: i32) -> (i32, i32, i32) {
    %c0_i32 = arith.constant 0 : i32
    %c0_i32_0 = arith.constant 0 : i32
    %c0_i32_1 = arith.constant 0 : i32
    return %arg0, %c0_i32, %c0_i32_0 : i32, i32, i32
  }
  func.func @transform_1(%arg0: i32, %arg1: i32) -> (i32, i32, i32) {
    %c0_i32 = arith.constant 0 : i32
    %c0_i32_0 = arith.constant 0 : i32
    %c0_i32_1 = arith.constant 0 : i32
    return %arg0, %c0_i32, %c0_i32_0 : i32, i32, i32
  }
  func.func @transform_2(%arg0: i32, %arg1: i32) -> (i32, i32, i32) {
    %c0_i32 = arith.constant 0 : i32
    %c0_i32_0 = arith.constant 0 : i32
    return %arg0, %arg1, %c0_i32 : i32, i32, i32
  }
  func.func @transform_3(%arg0: i32, %arg1: i32) -> (i32, i32, i32) {
    %c0_i32 = arith.constant 0 : i32
    %c0_i32_0 = arith.constant 0 : i32
    return %arg0, %arg1, %c0_i32 : i32, i32, i32
  }
}

module attributes {stable_mosaic.version = 14 : i64} {
  func.func @_nodevec_body(%arg0: i32, %arg1: memref<1x4096x16xf32, #tpu.memory_space<vmem>>, %arg2: memref<16x16xf32, #tpu.memory_space<vmem>>, %arg3: memref<16xf32, #tpu.memory_space<vmem>>, %arg4: memref<16x16xf32, #tpu.memory_space<vmem>>, %arg5: memref<16xf32, #tpu.memory_space<vmem>>, %arg6: memref<1x4096x16xf32, #tpu.memory_space<vmem>>, %arg7: memref<1x4096x16xf32, #tpu.memory_space<vmem>>) attributes {dimension_semantics = [#tpu.dimension_semantics<arbitrary>], iteration_bounds = array<i64: 4>, scalar_prefetch = 0 : i64, scratch_operands = 0 : i64, tpu.core_type = #tpu.core_type<tc>, window_params = [{transform_indices = @transform_0, window_bounds = array<i64: 1, 4096, 16>}, {pipeline_mode = #tpu.pipeline_mode<synchronous>, transform_indices = @transform_1, window_bounds = array<i64: 16, 16>}, {pipeline_mode = #tpu.pipeline_mode<synchronous>, transform_indices = @transform_2, window_bounds = array<i64: 16>}, {pipeline_mode = #tpu.pipeline_mode<synchronous>, transform_indices = @transform_3, window_bounds = array<i64: 16, 16>}, {pipeline_mode = #tpu.pipeline_mode<synchronous>, transform_indices = @transform_4, window_bounds = array<i64: 16>}, {transform_indices = @transform_5, window_bounds = array<i64: 1, 4096, 16>}, {transform_indices = @transform_6, window_bounds = array<i64: 1, 4096, 16>}]} {
    %get3A = arith.constant 0 : index
    %get3A_0 = arith.constant 0 : index
    %get3A_1 = arith.constant 0 : index
    %get3A_2 = vector.load %arg1[%get3A, %get3A_0, %get3A_1] : memref<1x4096x16xf32, #tpu.memory_space<vmem>>, vector<1x4096x16xf32>
    %get3A_3 = vector.shape_cast %get3A_2 : vector<1x4096x16xf32> to vector<4096x16xf32>
    %get3A_4 = arith.constant 0 : index
    %get3A_5 = arith.constant 0 : index
    %get3A_6 = vector.load %arg2[%get3A_4, %get3A_5] : memref<16x16xf32, #tpu.memory_space<vmem>>, vector<16x16xf32>
    %dot_general3A = arith.constant dense<0.000000e+00> : vector<4096x16xf32>
    %dot_general3A_7 = tpu.matmul %get3A_3, %get3A_6, %dot_general3A {dimension_numbers = #tpu.dot_dimension_numbers<[1], [0], [0], [1], [0, 0, 1, 1], [], []>, transpose_lhs_hint = false} : vector<4096x16xf32>, vector<16x16xf32>, vector<4096x16xf32> -> vector<4096x16xf32>
    %get3A_8 = arith.constant 0 : index
    %get3A_9 = vector.load %arg3[%get3A_8] : memref<16xf32, #tpu.memory_space<vmem>>, vector<16xf32>
    %broadcast_in_dim3A = vector.shape_cast %get3A_9 : vector<16xf32> to vector<1x16xf32>
    %add3A = vector.broadcast %broadcast_in_dim3A : vector<1x16xf32> to vector<4096x16xf32>
    %add3A_10 = arith.addf %dot_general3A_7, %add3A : vector<4096x16xf32>
    %mul3A = arith.constant 3.000000e+00 : f32
    %mul3A_11 = vector.broadcast %mul3A : f32 to vector<4096x16xf32>
    %mul3A_12 = arith.mulf %mul3A_11, %add3A_10 : vector<4096x16xf32>
    %tanh3A = math.tanh %mul3A_12 : vector<4096x16xf32>
    %swap3A = arith.constant 0 : index
    %swap3A_13 = arith.constant 0 : index
    %swap3A_14 = arith.constant 0 : index
    %swap3A_15 = vector.load %arg6[%swap3A, %swap3A_13, %swap3A_14] : memref<1x4096x16xf32, #tpu.memory_space<vmem>>, vector<1x4096x16xf32>
    %swap3A_16 = vector.shape_cast %swap3A_15 : vector<1x4096x16xf32> to vector<4096x16xf32>
    %swap3A_17 = vector.shape_cast %tanh3A : vector<4096x16xf32> to vector<1x4096x16xf32>
    tpu.vector_store %arg6[%swap3A, %swap3A_13, %swap3A_14], %swap3A_17 {strides = array<i32>} : memref<1x4096x16xf32, #tpu.memory_space<vmem>>, vector<1x4096x16xf32>,
    %get3A_18 = arith.constant 0 : index
    %get3A_19 = arith.constant 0 : index
    %get3A_20 = vector.load %arg4[%get3A_18, %get3A_19] : memref<16x16xf32, #tpu.memory_space<vmem>>, vector<16x16xf32>
    %dot_general3A_21 = arith.constant dense<0.000000e+00> : vector<4096x16xf32>
    %dot_general3A_22 = tpu.matmul %get3A_3, %get3A_20, %dot_general3A_21 {dimension_numbers = #tpu.dot_dimension_numbers<[1], [0], [0], [1], [0, 0, 1, 1], [], []>, transpose_lhs_hint = false} : vector<4096x16xf32>, vector<16x16xf32>, vector<4096x16xf32> -> vector<4096x16xf32>
    %get3A_23 = arith.constant 0 : index
    %get3A_24 = vector.load %arg5[%get3A_23] : memref<16xf32, #tpu.memory_space<vmem>>, vector<16xf32>
    %broadcast_in_dim3A_25 = vector.shape_cast %get3A_24 : vector<16xf32> to vector<1x16xf32>
    %add3A_26 = vector.broadcast %broadcast_in_dim3A_25 : vector<1x16xf32> to vector<4096x16xf32>
    %add3A_27 = arith.addf %dot_general3A_22, %add3A_26 : vector<4096x16xf32>
    %mul3A_28 = arith.constant 3.000000e+00 : f32
    %mul3A_29 = vector.broadcast %mul3A_28 : f32 to vector<4096x16xf32>
    %mul3A_30 = arith.mulf %mul3A_29, %add3A_27 : vector<4096x16xf32>
    %tanh3A_31 = math.tanh %mul3A_30 : vector<4096x16xf32>
    %swap3A_32 = arith.constant 0 : index
    %swap3A_33 = arith.constant 0 : index
    %swap3A_34 = arith.constant 0 : index
    %swap3A_35 = vector.load %arg7[%swap3A_32, %swap3A_33, %swap3A_34] : memref<1x4096x16xf32, #tpu.memory_space<vmem>>, vector<1x4096x16xf32>
    %swap3A_36 = vector.shape_cast %swap3A_35 : vector<1x4096x16xf32> to vector<4096x16xf32>
    %swap3A_37 = vector.shape_cast %tanh3A_31 : vector<4096x16xf32> to vector<1x4096x16xf32>
    tpu.vector_store %arg7[%swap3A_32, %swap3A_33, %swap3A_34], %swap3A_37 {strides = array<i32>} : memref<1x4096x16xf32, #tpu.memory_space<vmem>>, vector<1x4096x16xf32>,
    return
  }
  func.func @transform_0(%arg0: i32) -> (i32, i32, i32) {
    %c0_i32 = arith.constant 0 : i32
    %c0_i32_0 = arith.constant 0 : i32
    %c0_i32_1 = arith.constant 0 : i32
    return %arg0, %c0_i32, %c0_i32_0 : i32, i32, i32
  }
  func.func @transform_1(%arg0: i32) -> (i32, i32) {
    %c0_i32 = arith.constant 0 : i32
    %c0_i32_0 = arith.constant 0 : i32
    %c0_i32_1 = arith.constant 0 : i32
    return %c0_i32, %c0_i32_0 : i32, i32
  }
  func.func @transform_2(%arg0: i32) -> i32 {
    %c0_i32 = arith.constant 0 : i32
    %c0_i32_0 = arith.constant 0 : i32
    return %c0_i32 : i32
  }
  func.func @transform_3(%arg0: i32) -> (i32, i32) {
    %c0_i32 = arith.constant 0 : i32
    %c0_i32_0 = arith.constant 0 : i32
    %c0_i32_1 = arith.constant 0 : i32
    return %c0_i32, %c0_i32_0 : i32, i32
  }
  func.func @transform_4(%arg0: i32) -> i32 {
    %c0_i32 = arith.constant 0 : i32
    %c0_i32_0 = arith.constant 0 : i32
    return %c0_i32 : i32
  }
  func.func @transform_5(%arg0: i32) -> (i32, i32, i32) {
    %c0_i32 = arith.constant 0 : i32
    %c0_i32_0 = arith.constant 0 : i32
    %c0_i32_1 = arith.constant 0 : i32
    return %arg0, %c0_i32, %c0_i32_0 : i32, i32, i32
  }
  func.func @transform_6(%arg0: i32) -> (i32, i32, i32) {
    %c0_i32 = arith.constant 0 : i32
    %c0_i32_0 = arith.constant 0 : i32
    %c0_i32_1 = arith.constant 0 : i32
    return %arg0, %c0_i32, %c0_i32_0 : i32, i32, i32
  }
}

</mosaic_0001>

<sc_bundles>
// kernel: kernel.5.cloned.1.call-start
scs
__scs_entry_jumppad:
0x0: {  	(pc) =	sbr.rel $0x88, $3  }
0x1: {  	(tag) =	ssettag $0x0;
	lr =	simm.s32 $0x1  }
0x2: {  	[smem:$0x3F9C] =	sst lr;
	_ =	strace $0xD0000000  }
0x3: {  	_ = 	snop  }
0x4: {  	_ = 	snop  }
0x5: {  	_ = 	snop  }
0x6: {  	_ = 	snop  }
0x7: {  	_ = 	snop  }
__scs_overlays_trampoline_lowered:
0x8: {  	[smem:$0x3FAB] =	sst s0  }
0x9: {  	[smem:$0x3FAC] =	sst s1  }
0xa: {  	[smem:$0x3FAD] =	sst s2  }
0xb: {  	[smem:$0x3FAE] =	sst s3  }
0xc: {  	[smem:$0x3FAF] =	sst s4  }
0xd: {  	[smem:$0x3FB0] =	sst s5  }
0xe: {  	[smem:$0x3FB1] =	sst s6  }
0xf: {  	[smem:$0x3FB2] =	sst s7  }
0x10: {  	[smem:$0x3FB3] =	sst s8  }
0x11: {  	[smem:$0x3FB4] =	sst s9;
	s0 =	simm.s32 @!p0 $0x0  }
0x12: {  	s1 =	sld [smem:$0x3F9A];
	s0 =	simm.s32 @p0 $0x1  }
0x13: {  	[smem:$0x3FB5] =	sst s0;
	s0 =	simm.s32 @!p1 $0x0  }
0x14: {  	s2 =	sld [smem:$0x3F99];
	s0 =	simm.s32 @p1 $0x1  }
0x15: {  	[smem:$0x3FB6] =	sst s0;
	s0 =	simm.s32 @!p2 $0x0  }
0x16: {  	s3 =	sld [smem:$0x3FDB];
	s0 =	simm.s32 @p2 $0x1  }
0x17: {  	s4 =	simm.s32 $0x1BF5;
	[smem:$0x3FB8] =	sst s0  }
0x18: {  	s0 =	sld [smem:$0x3F9B];
	_ =	swait.ge [sflag:s4], $0x0  }
0x19: {  	s7 =	sld [smem:$0x3F9C]  }
0x1a: {  	s8 =	sadd.s32 $0xFFFFE003, lr  }
0x1b: {  	s9 =	sadd.s32 $0xFFFFFEF7, lr;
	s5 =	simm.s32 $0xFFFFFFFF;
	p2 =	slt.u32 s8, $0xFFFFF086  }
0x1c: {  	p1 =	slt.u32 s9, $0xF7A;
	s5 =	simm.s32 @!p2 $0x0  }
0x1d: {  	s5 =	simm.s32 @p1 $0x1;
	p0 =	seq.s32 s7, s2  }
0x1e: {  	s7 =	smul.u32 @!p0 $0xF7A, s2;
	p2 =	seq.s32 @!p0 s5, $0x0  }
0x1f: {  	s9 =	smul.u32 $0xF7A, s1;
	s8 =	simm.s32 @!p0 $0x1BF5;
	p2 =	por !p2, p0  }
0x20: {  	[sflag:s8] =	ssyncset.s32 @!p0 $0xFFFFF086;
	s6 =	sadd.s32 @!p0 s3, s7;
	s7 =	simm.s32 @!p0 $0x108  }
0x21: {  	s3 =	sadd.s32 s3, s9;
	s6 =	sadd.s32 @!p0 $0x88, s6;
	s7 =	simm.s32 @p2 $0x1082  }
0x22: {  	[simem:s7], [sflag:s8] =	dma.local @!p0 [hbm:s6], $0xF7A  }
0x23: {  	s9 =	sor.u32 $0xD0000000, s2;
	s6 =	simm.s32 $0x108;
	_ =	swait.ge @!p0 [sflag:s8], $0x0  }
0x24: {  	s3 =	sadd.s32 $0x88, s3;
	s6 =	simm.s32 @!p1 $0x1082;
	[sflag:s4] =	ssyncset.s32 $0xFFFFF086  }
0x25: {  	[simem:s6], [sflag:s4] =	dma.local [hbm:s3], $0xF7A  }
0x26: {  	[smem:$0x3F9C] =	sst s1;
	(tag) =	ssettag s2;
	_ =	strace s9  }
0x27: {  	s1 =	sld [smem:$0x3FAC]  }
0x28: {  	s2 =	sld [smem:$0x3FAD]  }
0x29: {  	s4 =	sld [smem:$0x3FAF]  }
0x2a: {  	p0 =	seq.s32 s5, $0x0;
	s5 =	sld [smem:$0x3FB0]  }
0x2b: {  	s6 =	sld [smem:$0x3FB1]  }
0x2c: {  	s7 =	sld [smem:$0x3FB2]  }
0x2d: {  	s3 =	simm.s32 $0x108;
	s8 =	sld [smem:$0x3FB3]  }
0x2e: {  	s3 =	simm.s32 @!p0 $0x1082;
	s9 =	sld [smem:$0x3FB4]  }
0x2f: {  	lr =	sadd.s32 s0, s3;
	s0 =	sld [smem:$0x3FAB]  }
0x30: {  	s3 =	sld [smem:$0x3FAE]  }
0x31: {  	[smem:$0x3FB7] =	sst s10  }
0x32: {  	s10 =	sld [smem:$0x3FB5];
	_ =	sdelay $0x3  }
0x33: {  	p0 =	seq.s32 s10, $0x1;
	s10 =	sld [smem:$0x3FB7];
	_ =	sdelay $0x3  }
0x34: {  	[smem:$0x3FB7] =	sst s10  }
0x35: {  	s10 =	sld [smem:$0x3FB6];
	_ =	sdelay $0x3  }
0x36: {  	p1 =	seq.s32 s10, $0x1;
	s10 =	sld [smem:$0x3FB7];
	_ =	sdelay $0x3  }
0x37: {  	[smem:$0x3FB7] =	sst s10  }
0x38: {  	s10 =	sld [smem:$0x3FB8]  }
0x39: {  	_ = 	snop;
	(pc) =	sbr.ind lr, $3  }
0x3a: {  	_ = 	snop  }
0x3b: {  	_ = 	snop  }
0x3c: {  	p2 =	seq.s32 s10, $0x1;
	s10 =	sld [smem:$0x3FB7]  }
0x3d: {  	_ =	shalt  }
0x3e: {  	_ =	shalt  }
0x3f: {  	_ =	shalt  }
0x40: {  	_ =	shalt  }
0x41: {  	_ =	shalt  }
0x42: {  	_ =	shalt  }
0x43: {  	_ =	shalt  }
0x44: {  	_ =	shalt  }
0x45: {  	_ =	shalt  }
0x46: {  	_ =	shalt  }
0x47: {  	_ =	shalt  }
0x48: {  	_ =	shalt  }
0x49: {  	_ =	shalt  }
0x4a: {  	_ =	shalt  }
0x4b: {  	_ =	shalt  }
0x4c: {  	_ =	shalt  }
0x4d: {  	_ =	shalt  }
0x4e: {  	_ =	shalt  }
0x4f: {  	_ =	shalt  }
0x50: {  	_ =	shalt  }
0x51: {  	_ =	shalt  }
0x52: {  	_ =	shalt  }
0x53: {  	_ =	shalt  }
0x54: {  	_ =	shalt  }
0x55: {  	_ =	shalt  }
0x56: {  	_ =	shalt  }
0x57: {  	_ =	shalt  }
0x58: {  	_ =	shalt  }
0x59: {  	_ =	shalt  }
0x5a: {  	_ =	shalt  }
0x5b: {  	_ =	shalt  }
0x5c: {  	_ =	shalt  }
0x5d: {  	_ =	shalt  }
0x5e: {  	_ =	shalt  }
0x5f: {  	_ =	shalt  }
0x60: {  	_ =	shalt  }
0x61: {  	_ =	shalt  }
0x62: {  	_ =	shalt  }
0x63: {  	_ =	shalt  }
0x64: {  	_ =	shalt  }
0x65: {  	_ =	shalt  }
0x66: {  	_ =	shalt  }
0x67: {  	_ =	shalt  }
0x68: {  	_ =	shalt  }
0x69: {  	_ =	shalt  }
0x6a: {  	_ =	shalt  }
0x6b: {  	_ =	shalt  }
0x6c: {  	_ =	shalt  }
0x6d: {  	_ =	shalt  }
0x6e: {  	_ =	shalt  }
0x6f: {  	_ =	shalt  }
0x70: {  	_ =	shalt  }
0x71: {  	_ =	shalt  }
0x72: {  	_ =	shalt  }
0x73: {  	_ =	shalt  }
0x74: {  	_ =	shalt  }
0x75: {  	_ =	shalt  }
0x76: {  	_ =	shalt  }
0x77: {  	_ =	shalt  }
0x78: {  	_ =	shalt  }
0x79: {  	_ =	shalt  }
0x7a: {  	_ =	shalt  }
0x7b: {  	_ =	shalt  }
0x7c: {  	_ =	shalt  }
0x7d: {  	_ =	shalt  }
0x7e: {  	_ =	shalt  }
0x7f: {  	_ =	shalt  }
0x80: {  	_ =	shalt  }
0x81: {  	_ =	shalt  }
0x82: {  	_ =	shalt  }
0x83: {  	_ =	shalt  }
0x84: {  	_ =	shalt  }
0x85: {  	_ =	shalt  }
0x86: {  	_ =	shalt  }
0x87: {  	_ =	shalt  }
.Lfunc_end0:
.L_simem_size_0:
called_computation_lowered:
.L_overlay_start_0:
0x88: {  	s2 =	sld [smem:$0x3FD9]  }
0x89: {  	s3 =	sld [smem:$0x3FFE];
	_ =	sdelay $0x1  }
0x8a: {  	s1 =	srdreg.scid  }
0x8b: {  	s0 =	sand.u32 $0x1, s1  }
0x8c: {  	s17 =	sshll.u32 s0, $0xA;
	s2 =	sadd.s32 s3, s2  }
0x8d: {  	s2 =	sadd.s32 s2, s17  }
0x8e: {  	[smem:$0x3FC3] =	sst s2  }
0x8f: {  	_ = 	snop  }
0x90: {  	s2 =	sld [smem:$0x3FD0];
	(tm) =	ssettm $0x1  }
0x91: {  	s18 =	sld [smem:$0x3FFB];
	_ =	sdelay $0x3  }
0x92: {  	_ =	strace s18  }
0x93: {  	s3 =	sld [smem:$0x3FFC];
	_ =	sdelay $0x3  }
0x94: {  	_ =	strace s3  }
0x95: {  	s3 =	sld [smem:$0x3FFD];
	_ =	sdelay $0x3  }
0x96: {  	_ =	strace s3  }
0x97: {  	_ =	strace $0x8FFFFFFF  }
0x98: {  	s19 =	sld [smem:$0x3FDB];
	_ =	sdelay $0x1  }
0x99: {  	s4 =	simm.s32 $_scs_section_size  }
0x9a: {  	s5 =	simm.s32 $_size__tile_overlayer_lowered;
	s6 =	simm.s32 $_tile_overlayer_lowered  }
0x9b: {  	s22 =	simm.s32 $0x1BFF;
	s21 =	sshll.u32 s6, $0x1;
	s3 =	sadd.s32 s4, s19  }
0x9c: {  	s7 =	simm.s32 $0x0;
	s20 =	sshll.u32 s5, $0x1;
	s5 =	sadd.s32 s21, s3  }
0x9d: {  	[timem:s7], [sflag:s22] =	dma.local [hbm:s5], s20  }
0x9e: {  	_ =	swait.ge [sflag:s22], s20  }
0x9f: {  	s4 =	ssub.s32 $0x0, s20;
	[sflag:s22] =	ssyncset.done $0x0  }
0xa0: {  	[sflag:s22] =	ssyncadd.s32 s4;
	_ =	sdelay $0x1  }
0xa1: {  	s23 =	simm.s32 $0x1B8B  }
0xa2: {  	_ =	swait.ge [sflag:s23], $0x1  }
0xa3: {  	[sflag:s23] =	ssyncset.done $0x0  }
0xa4: {  	s25 =	simm.s32 $0x1B8E;
	s24 =	sld [smem:$0x3FFE];
	[sflag:s23] =	ssyncadd.s32 $0xFFFFFFFF  }
0xa5: {  	s26 =	simm.s32 $execute0_lowered;
	[smem:$0x3FD2] =	sst s25  }
0xa6: {  	s5 =	sshll.u32 s26, $0x1;
	_ =	strace $0x80000046;
	[dreg:$0x1] =	wrdreg $0xFFFFFFFF  }
0xa7: {  	s28 =	simm.s32 $_size_execute0_lowered;
	s3 =	sadd.s32 s3, s5;
	[dreg:$0x0] =	wrdreg $0x0  }
0xa8: {  	s5 =	sshll.u32 s28, $0x1;
	[dreg:$0x2] =	wrdreg s3  }
0xa9: {  	[dreg:$0x3] =	wrdreg s5  }
0xaa: {  	[dreg:$0x4] =	wrdreg $0xC0  }
0xab: {  	_ =	task [dreg:s7], $0x5FFFF  }
0xac: {  	[dreg:$0x1] =	wrdreg $0xFFFFFFFF  }
0xad: {  	[dreg:$0x0] =	wrdreg $0x60  }
0xae: {  	[dreg:$0x2] =	wrdreg s24  }
0xaf: {  	[dreg:$0x3] =	wrdreg s2  }
0xb0: {  	[dreg:$0x4] =	wrdreg $0x9  }
0xb1: {  	_ =	task.clear_ibuf [dreg:s7], $0x5FFFF;
	_ =	strace $0x90000046  }
0xb2: {  	s29 =	simm.s32 $0x9;
	_ =	strace $0x80000048  }
0xb3: {  	_ =	swait.ge [sflag:s29], $0x1  }
0xb4: {  	[sflag:s29] =	ssyncadd.s32 $0xFFFFFFFF  }
0xb5: {  	_ =	strace $0x90000048  }
0xb6: {  	_ =	sfence  }
0xb7: {  	s30 =	sld [smem:$0x0];
	_ =	sdelay $0x2  }
0xb8: {  	s31 =	sshll.u32 s1, $0xD;
	s1 =	sshrl.u32 s1, $0x2  }
0xb9: {  	s3 =	sand.u32 $0x4000, s31;
	s1 =	sadd.s32 s1, s30  }
0xba: {  	s0 =	sor.u32 s3, s0;
	s1 =	sshll.u32 s1, $0x11  }
0xbb: {  	s0 =	sor.u32 s1, s0  }
0xbc: {  	s0 =	sadd.s32 $0x8F2B, s0  }
0xbd: {  	[sflag:s0] =	ssyncadd.remote.s32 $0x1  }
0xbe: {  	_ =	sfence.sel $0xFFFF  }
0xbf: {  	[dreg:$0x0] =	wrdreg $0xFFFFFFFF;
	(pc) =	sbr.abs _section_cstart, $3  }
0xc0: {  	[dreg:$0x1] =	wrdreg $0xFFFFFFFF  }
0xc1: {  	_ =	task.clear_ibuf [dreg:s7], $0x2FFFF;
	_ =	strace $0x9FFFFFFF  }
0xc2: {  	(tm) =	ssettm $0x7FFFFFFF  }
0xc3: {  	_ =	shalt  }
tec
execute0_lowered:
.L_overlay_start_1:
0x0: {  	(tag) =	ssettag $0x1  }
0x1: {  	s4 =	rddreg [dreg:$0x0];
	s1 =	srdreg.scid  }
0x2: {  	s0 =	stileid.u32;
	s2 =	rddreg [dreg:$0x1];
	s11 =	simm.s32 $0x1080  }
0x3: {  	s12 =	simm.s32 $0x2100;
	s13 =	simm.s32 $0x80;
	s14 =	simm.s32 $0x400  }
0x4: {  	s15 =	simm.s32 $0x3100;
	s16 =	simm.s32 $0x1;
	s17 =	simm.s32 $0x2  }
0x5: {  	s18 =	simm.s32 $0x0;
	s5 =	sand.u32 $0x1, s1;
	s3 =	sshll.u32 s0, $0x1  }
0x6: {  	s1 =	rddreg [dreg:$0x2];
	s9 =	sshll.u32 s0, $0x13;
	s6 =	sor.u32 s5, s3  }
0x7: {  	s3 =	simm.s32 $0x0;
	s8 =	ssub.s32 $0x2, s5;
	s10 =	sshll.u32 s5, $0x12  }
0x8: {  	s7 =	sshll.u32 s6, $0x9;
	[smem:$0x7FF] =	sst s3;
	s31 =	sshrl.u32 s8, $0x1  }
0x9: {  	s6 =	sshll.u32 s6, $0x12;
	s9 =	sor.u32 s10, s9;
	s10 =	simm.s32 $0x3  }
0xa: {  	s7 =	sadd.s32 s7, s4;
	_ =	strace $0x80000047;
	s8 =	ssub.s32 s8, s31  }
0xb: {  	s6 =	sadd.s32 s2, s6;
	s9 =	sor.u32 $0x400, s9;
	s4 =	sadd.s32 $0x5400, s7  }
0xc: {  	v0 =	vimm.f32 $0.0e+00;
	s5 =	sadd.s32 $0x1400, s7;
	s7 =	sadd.s32 $0x10, s6;
	s8 =	smax.u32 s8, $0x1  }
.LBB2_1:
0xd: {  	[tilespmem:s3], [sflag:$0x3] =	stream.linear.gather [hbm4b:s4+s3], $0x1000, $0x38;
	[tilespmem:$0x4100] =	vst v63  }
0xe: {  	_ =	swait.ge [sflag:s10], $0x1000  }
0xf: {  	[sflag:s10] =	ssyncset.done $0x0  }
0x10: {  	[sflag:s10] =	ssyncadd.s32 $0xFFFFF000  }
0x11: {  	[tilespmem:s11], [sflag:$0x3] =	stream.linear.gather [hbm4b:s5+s3], $0x1000, $0x38;
	[tilespmem:$0x4100] =	vst v63  }
0x12: {  	_ =	swait.ge [sflag:s10], $0x1000  }
0x13: {  	[sflag:s10] =	ssyncset.done $0x0  }
0x14: {  	s19 =	simm.s32 $0x40;
	s20 =	simm.s32 $0x0;
	[sflag:s10] =	ssyncadd.s32 $0xFFFFF000  }
.LBB2_2:
0x15: {  	p0 =	sne.s32 s19, $0x3FC0;
	[tilespmem:s20+$0x2100] =	vst v0;
	s21 =	smov.u32 s19;
	s19 =	sadd.s32 $0x40, s19  }
.Ltmp0:
0x16: {  	[tilespmem:s20+$0x3100] =	vst v0;
	(pc) =	sbr.rel @p0 .LBB2_2-.Ltmp0, $2  }
0x17: {  	_ =	sdelay $0x2  }
0x18: {  	s20 =	sshra.s32 s21, $0x2  }
0x19: {  	[tilespmem:s20+$0x2100] =	vst v0  }
0x1a: {  	[tilespmem:s20+$0x3100] =	vst v0  }
0x1b: {  	v1 =	vld [tilespmem:$0x0];
	_ =	sdelay $0x2  }
0x1c: {  	v2 =	vld [tilespmem:$0x1080];
	_ =	sdelay $0x4  }
0x1d: {  	[tilespmem:v1+s12+$0x0] =	vst.idx.msk $0xff, v2  }
0x1e: {  	[hbm4b:s6+s13] =	stream.strided.scatter [tilespmem:s12], [sflag:$0x1], $0x1000, s14, s13, $0x38;
	[tilespmem:$0x4100] =	vst v63  }
0x1f: {  	v1 =	vld [tilespmem:$0x8];
	_ =	sdelay $0x2  }
0x20: {  	v2 =	vld [tilespmem:$0x1088];
	_ =	sdelay $0x3  }
0x21: {  	s19 =	simm.s32 $0x30  }
0x22: {  	s20 =	simm.s32 $0x1098;
	s21 =	simm.s32 $0x10;
	s22 =	smov.u32 s9;
	[tilespmem:v1+s15+$0x0] =	vst.idx.msk $0xff, v2  }
0x23: {  	[hbm4b:s7+s13] =	stream.strided.scatter [tilespmem:s15], [sflag:$0x2], $0x1000, s14, s13, $0x38;
	[tilespmem:$0x4100] =	vst v63  }
.LBB2_4:
0x24: {  	_ =	swait.ge [sflag:s16], $0x1000  }
0x25: {  	[sflag:s16] =	ssyncset.done $0x0  }
0x26: {  	[sflag:s16] =	ssyncadd.s32 $0xFFFFF000  }
0x27: {  	v1 =	vld [tilespmem:s21+$0xFFFFFFF0];
	_ =	sdelay $0x7  }
0x28: {  	[tilespmem:v1+s12+$0x0] =	vst.idx.msk $0xff, v0  }
0x29: {  	v1 =	vld [tilespmem:s21+$0x0];
	_ =	sdelay $0x2  }
0x2a: {  	v2 =	vld [tilespmem:s20+$0xFFFFFFF8];
	_ =	sdelay $0x1  }
0x2b: {  	s23 =	sadd.s32 $0xFFFFFFF0, s19  }
0x2c: {  	s23 =	sand.u32 $0x60, s23  }
0x2d: {  	s24 =	sand.u32 $0xFFFF000, s22;
	s23 =	sadd.s32 s2, s23  }
0x2e: {  	s23 =	sadd.s32 s24, s23;
	[tilespmem:v1+s12+$0x0] =	vst.idx.msk $0xff, v2  }
0x2f: {  	[hbm4b:s23+s13] =	stream.strided.scatter [tilespmem:s12], [sflag:$0x1], $0x1000, s14, s13, $0x38;
	[tilespmem:$0x4100] =	vst v63  }
0x30: {  	_ =	swait.ge [sflag:s17], $0x1000  }
0x31: {  	[sflag:s17] =	ssyncset.done $0x0  }
0x32: {  	[sflag:s17] =	ssyncadd.s32 $0xFFFFF000  }
0x33: {  	v1 =	vld [tilespmem:s21+$0xFFFFFFF8];
	_ =	sdelay $0x7  }
0x34: {  	[tilespmem:v1+s15+$0x0] =	vst.idx.msk $0xff, v0  }
0x35: {  	v1 =	vld [tilespmem:s21+$0x8];
	_ =	sdelay $0x2  }
0x36: {  	v2 =	vld [tilespmem:s20+$0x0]  }
0x37: {  	p0 =	sne.s32 s19, $0x1FF0  }
.Ltmp1:
0x38: {  	_ = 	snop;
	(pc) =	sbr.rel @p0 .LBB2_4-.Ltmp1, $4  }
0x39: {  	s31 =	sand.u32 $0x70, s19  }
0x3a: {  	s22 =	sadd.s32 $0x400, s22;
	s19 =	sadd.s32 $0x20, s19;
	s23 =	sadd.s32 s2, s31  }
0x3b: {  	s23 =	sadd.s32 s24, s23;
	s20 =	sadd.s32 $0x10, s20;
	s21 =	sadd.s32 $0x10, s21;
	[tilespmem:v1+s15+$0x0] =	vst.idx.msk $0xff, v2  }
0x3c: {  	[hbm4b:s23+s13] =	stream.strided.scatter [tilespmem:s15], [sflag:$0x2], $0x1000, s14, s13, $0x38;
	[tilespmem:$0x4100] =	vst v63  }
0x3d: {  	s18 =	sadd.s32 $0x1, s18  }
0x3e: {  	_ =	swait.ge [sflag:s16], $0x1000;
	p0 =	sne.s32 s18, s8  }
.Ltmp2:
0x3f: {  	[sflag:s16] =	ssyncset.done $0x0;
	(pc) =	sbr.rel @p0 .LBB2_1-.Ltmp2, $4  }
0x40: {  	[sflag:s16] =	ssyncadd.s32 $0xFFFFF000  }
0x41: {  	_ =	swait.ge [sflag:s17], $0x1000  }
0x42: {  	[sflag:s17] =	ssyncset.done $0x0  }
0x43: {  	[sflag:s17] =	ssyncadd.s32 $0xFFFFF000  }
0x44: {  	_ =	sfence.sel $0x180000  }
0x45: {  	[bflag:$0x0] =	sbarrier.arrive $0xFFFF  }
0x46: {  	p0 =	sne.s32 s0, $0x0;
	_ =	strace $0x90000047  }
0x47: {  	s0 =	sadd.s32 @!p0 $0x100000, s1;
	[bflag:$0x2] =	sbarrier.arrive $0xFFFF  }
0x48: {  	[sflag:s0] =	ssyncadd.tile.s32 @!p0 $0x1;
	_ =	shalt  }
.Lfunc_end2:
_tile_overlayer_lowered:
.L_overlay_start_2:
0x49: {  	(tag) =	ssettag $0x2  }
0x4a: {  	s0 =	rddreg [dreg:$0x0];
	s2 =	stileid.u32  }
0x4b: {  	s1 =	rddreg [dreg:$0x1];
	p0 =	sne.s32 s2, $0x0  }
0x4c: {  	s3 =	rddreg [dreg:$0x2];
	[bflag:$0x3] =	sbarrier.arrive $0xFFFF;
	s2 =	simm.s32 @!p0 $0x1C03  }
0x4d: {  	[timem:s3], [sflag:s2] =	dma.local @!p0 [hbm:s0], s1  }
0x4e: {  	s0 =	simm.s32 @!p0 $0x3  }
0x4f: {  	_ =	swait.ge @!p0 [sflag:s0], s1  }
0x50: {  	s1 =	ssub.s32 @!p0 $0x0, s1;
	[sflag:s0] =	ssyncset.done @!p0 $0x0  }
0x51: {  	[sflag:s0] =	ssyncadd.s32 @!p0 s1  }
0x52: {  	[bflag:$0x3] =	sbarrier.arrive $0xFFFF  }
0x53: {  	_ =	shalt  }

</sc_bundles>
